<compile_context>
chip_gen: v7x
topology: tpu7x:2x2x1
jax: 0.10.2.dev20260603
libtpu: 0.0.44.dev20260713+nightly
codegen_flags: <defaults>
</compile_context>

<pallas_src>
import functools

import jax
import jax.numpy as jnp
from jax import lax
from jax.experimental import pallas as pl
from jax.experimental.pallas import tpu as pltpu
from jax.experimental.pallas import tpu_sc as plsc

N = 4096
MM_DIM = 256
ST_DIM = 32
COMPS = 5
INV_TAU = 2.0
TOPK = 6
BLK = 1024
NBLK = N // BLK


def _encode_body(mm_ref, st_ref, w1_ref, b1_ref, w2_ref, b2_ref, g_ref,
                 be_ref, enc_ref, encn_ref, stn_ref):
    x = mm_ref[...]
    w1 = w1_ref[0]
    h = lax.dot_general(x, w1, (((1,), (1,)), ((), ())),
                        preferred_element_type=jnp.float32)
    h = h + b1_ref[0]
    h = 0.5 * h * (1.0 + lax.erf(h * 0.7071067811865476))
    w2 = w2_ref[0]
    h = lax.dot_general(h, w2, (((1,), (1,)), ((), ())),
                        preferred_element_type=jnp.float32)
    h = h + b2_ref[0]
    mu = jnp.mean(h, axis=0, keepdims=True)
    d = h - mu
    var = jnp.mean(d * d, axis=0, keepdims=True)
    enc = d * jax.lax.rsqrt(var + 1e-5) * g_ref[0] + be_ref[0]
    enc_ref[0] = enc
    nrm = jnp.sqrt(jnp.sum(enc * enc, axis=1, keepdims=True)) + 1e-12
    encn_ref[0] = enc / nrm
    st = st_ref[0]
    snrm = jnp.sqrt(jnp.sum(st * st, axis=1, keepdims=True)) + 1e-12
    stn_ref[0] = st / snrm


def _pass1_body(stn_ref, encn_ref, rowsum_ref, idx_ref):
    c = pl.program_id(0)
    s = stn_ref[0]
    e = encn_ref[0]
    sim = lax.dot_general(s, e, (((1,), (1,)), ((), ())),
                          preferred_element_type=jnp.float32)
    es = jnp.exp(sim * INV_TAU)
    rowsum_ref[0, 0] = jnp.sum(es, axis=1)
    idx_ref[0, 0] = jnp.argmax(sim, axis=1).astype(jnp.int32) + c * N


def _pass2_body(g_ref, stn_ref, encn_ref, rowsum_ref, loss_ref):
    c = pl.program_id(0)
    b = pl.program_id(1)
    g = g_ref[0]
    s = stn_ref[0]
    e = encn_ref[0]
    mm = lax.dot_general(g, e, (((1,), (1,)), ((), ())),
                         preferred_element_type=jnp.float32)
    sim = lax.dot_general(s, e, (((1,), (1,)), ((), ())),
                          preferred_element_type=jnp.float32)
    v = jnp.max(mm, axis=1, keepdims=True)
    for _ in range(TOPK - 1):
        v = jnp.max(jnp.where(mm < v, mm, -3.0), axis=1, keepdims=True)
    pos = jnp.sum(jnp.where(mm >= v, jnp.exp(sim * INV_TAU), 0.0), axis=1)
    rs = rowsum_ref[0, 0]
    part = jnp.sum(jnp.log(rs) - jnp.log(pos)).reshape(1, 1)

    @pl.when(jnp.logical_and(c == 0, b == 0))
    def _init():
        loss_ref[...] = jnp.zeros((1, 1), jnp.float32)

    loss_ref[...] += part


def _sc_gather(table, idx):
    info = plsc.get_sparse_core_info()
    nw = info.num_cores * info.num_subcores
    rows = table.shape[0]
    per_w = rows // nw
    mesh = plsc.VectorSubcoreMesh(core_axis_name="c", subcore_axis_name="s")

    @functools.partial(
        pl.kernel, mesh=mesh,
        compiler_params=pltpu.CompilerParams(use_tc_tiling_on_sc=False),
        out_type=jax.ShapeDtypeStruct((rows, ST_DIM), jnp.float32),
        scratch_types=[
            pltpu.VMEM((per_w,), jnp.int32),
            pltpu.VMEM((per_w, ST_DIM), jnp.float32),
            pltpu.SemaphoreType.DMA,
        ],
    )
    def gather_k(table_hbm, idx_hbm, out_hbm, idx_v, rows_v, sem):
        wid = lax.axis_index("s") * info.num_cores + lax.axis_index("c")
        base = wid * per_w
        pltpu.sync_copy(idx_hbm.at[pl.ds(base, per_w)], idx_v)
        pltpu.async_copy(table_hbm.at[idx_v], rows_v, sem).wait()
        pltpu.sync_copy(rows_v, out_hbm.at[pl.ds(base, per_w)])

    return gather_k(table, idx)


def kernel(st_feats, mm_feats, W1, b1, W2, b2, gamma, beta):
    st_t = jnp.transpose(st_feats, (2, 0, 1))
    b1r = b1.reshape(COMPS, 1, ST_DIM)
    b2r = b2.reshape(COMPS, 1, ST_DIM)
    gr = gamma.reshape(COMPS, 1, ST_DIM)
    ber = beta.reshape(COMPS, 1, ST_DIM)

    full3 = pl.BlockSpec((1, N, ST_DIM), lambda c: (c, 0, 0))
    small3 = pl.BlockSpec((1, 1, ST_DIM), lambda c: (c, 0, 0))
    enc_all, encn_all, stn_all = pl.pallas_call(
        _encode_body,
        grid=(COMPS,),
        in_specs=[
            pl.BlockSpec((N, MM_DIM), lambda c: (0, 0)),
            full3,
            pl.BlockSpec((1, ST_DIM, MM_DIM), lambda c: (c, 0, 0)),
            small3,
            pl.BlockSpec((1, ST_DIM, ST_DIM), lambda c: (c, 0, 0)),
            small3, small3, small3,
        ],
        out_specs=[full3, full3, full3],
        out_shape=[jax.ShapeDtypeStruct((COMPS, N, ST_DIM), jnp.float32)] * 3,
    )(mm_feats, st_t, W1, b1r, W2, b2r, gr, ber)

    blk_in = pl.BlockSpec((1, BLK, ST_DIM), lambda c, b: (c, b, 0))
    encn_spec = pl.BlockSpec((1, N, ST_DIM), lambda c, b: (c, 0, 0))
    flat_out = pl.BlockSpec((1, 1, BLK), lambda c, b: (c * NBLK + b, 0, 0))
    rowsum, flatidx = pl.pallas_call(
        _pass1_body,
        grid=(COMPS, NBLK),
        in_specs=[blk_in, encn_spec],
        out_specs=[flat_out, flat_out],
        out_shape=[
            jax.ShapeDtypeStruct((COMPS * NBLK, 1, BLK), jnp.float32),
            jax.ShapeDtypeStruct((COMPS * NBLK, 1, BLK), jnp.int32),
        ],
    )(stn_all, encn_all)

    table = encn_all.reshape(COMPS * N, ST_DIM)
    g_flat = _sc_gather(table, flatidx.reshape(COMPS * N))
    g_all = g_flat.reshape(COMPS, N, ST_DIM)

    loss_sum = pl.pallas_call(
        _pass2_body,
        grid=(COMPS, NBLK),
        in_specs=[
            blk_in, blk_in, encn_spec,
            pl.BlockSpec((1, 1, BLK), lambda c, b: (c * NBLK + b, 0, 0)),
        ],
        out_specs=pl.BlockSpec((1, 1), lambda c, b: (0, 0)),
        out_shape=jax.ShapeDtypeStruct((1, 1), jnp.float32),
    )(g_all, stn_all, encn_all, rowsum)

    mm_out = jnp.transpose(enc_all, (1, 2, 0))
    loss = loss_sum[0, 0] / (COMPS * N)
    return (mm_out, loss)

# --- scband reference (transcript-rebuilt; emitter-appended) ---
"""Pipeline reference for scband-loretz-fusion-86337432584665 (READ-ONLY COPY).

The authoritative reference and input builder live on the scoring server;
editing this copy changes nothing except your own understanding.
"""

import jax, jax.numpy as jnp
import numpy as np

N = 4096
MM_DIM = 256
ST_DIM = 32
COMPS = 5
TAU = 0.5
TOPK = 6


def setup_inputs(seed: int = 0) -> dict:
    key = jax.random.key(seed)
    ks = jax.random.split(key, 6)
    st_feats = jax.random.normal(ks[0], (N, ST_DIM, COMPS), dtype=jnp.float32)
    mm_feats = jax.random.normal(ks[1], (N, MM_DIM), dtype=jnp.float32)
    # 5 encoders (t, r, i, j, k), each: Linear(mm_dim->st_dim), GELU, Linear(st_dim->st_dim), BatchNorm1d(st_dim)
    W1 = jax.random.normal(ks[2], (COMPS, ST_DIM, MM_DIM), dtype=jnp.float32) * (2.0 / MM_DIM) ** 0.5
    b1 = jnp.zeros((COMPS, ST_DIM), dtype=jnp.float32)
    W2 = jax.random.normal(ks[3], (COMPS, ST_DIM, ST_DIM), dtype=jnp.float32) * (2.0 / ST_DIM) ** 0.5
    b2 = jnp.zeros((COMPS, ST_DIM), dtype=jnp.float32)
    gamma = jnp.ones((COMPS, ST_DIM), dtype=jnp.float32)
    beta = jnp.zeros((COMPS, ST_DIM), dtype=jnp.float32)
    return {"st_feats": st_feats, "mm_feats": mm_feats, "W1": W1, "b1": b1, "W2": W2, "b2": b2, "gamma": gamma, "beta": beta}


def _normalize(x):
    return x / (jnp.linalg.norm(x, ord=2, axis=-1, keepdims=True) + 1e-12)


def _cossim(x, y):
    return _normalize(x) @ _normalize(y).T


def _encoder(x, W1, b1, W2, b2, g, be):
    h = x @ W1.T + b1
    h = jax.nn.gelu(h, approximate=False)
    h = h @ W2.T + b2
    # BatchNorm1d in training mode: batch statistics, biased variance
    mu = jnp.mean(h, axis=0)
    var = jnp.var(h, axis=0)
    return (h - mu) / jnp.sqrt(var + 1e-5) * g + be


def _neibor_mnce(stru, mm):
    mm_dist = _cossim(mm, mm)                       # [N, N]
    sm_dist = jnp.exp(_cossim(stru, mm) / TAU)      # [N, N]
    maxSM_idx = jnp.argmax(sm_dist, axis=-1)        # [N]
    _, maxMM_idx = jax.lax.top_k(mm_dist[maxSM_idx], TOPK)  # [N, topk]
    rows = jnp.arange(sm_dist.shape[0])[:, None]
    pos_scores = sm_dist[rows, maxMM_idx]           # [N, topk]
    return jnp.mean(-jnp.log(pos_scores.sum(axis=-1) / sm_dist.sum(axis=-1)))


def reference(st_feats, mm_feats, W1, b1, W2, b2, gamma, beta):
    enc = [_encoder(mm_feats, W1[c], b1[c], W2[c], b2[c], gamma[c], beta[c]) for c in range(COMPS)]
    losses = [_neibor_mnce(st_feats[:, :, c], enc[c]) for c in range(COMPS)]
    mm_out = jnp.stack(enc, axis=-1)                # [N, st_dim, 5]
    loss = (losses[0] + losses[1] + losses[2] + losses[3] + losses[4]) / 5.0
    return (mm_out, loss)

if __name__ == "__main__":
    import jax
    _d = setup_inputs()
    print(jax.jit(kernel)(*tuple(_d.values())))

</pallas_src>

<mosaic_0001>
#map = affine_map<(d0, d1) -> (0, 0)>
#map1 = affine_map<(d0, d1) -> (0)>
module attributes {stable_mosaic.version = 14 : i64} {
  func.func @gather_k(%arg0: i32, %arg1: i32, %arg2: memref<20480x32xf32, #tpu.memory_space<hbm>>, %arg3: memref<20480xi32, #tpu.memory_space<hbm>>, %arg4: memref<20480x32xf32, #tpu.memory_space<hbm>>, %arg5: memref<640xi32, #tpu.memory_space<vmem>>, %arg6: memref<640x32xf32, #tpu.memory_space<vmem>>, %arg7: memref<!tpu.dma_semaphore, #tpu.memory_space<semaphore_mem>>) attributes {dimension_semantics = [#tpu.dimension_semantics<core_parallel>, #tpu.dimension_semantics<subcore_parallel>], iteration_bounds = array<i64: 2, 16>, scalar_prefetch = 0 : i64, scratch_operands = 3 : i64, tpu.core_type = #tpu.core_type<sc_vector_subcore>, window_params = [{transform_indices = #map}, {transform_indices = #map1}, {transform_indices = #map}]} {
    %mul3A = arith.constant 2 : i32
    %mul3A_0 = arith.muli %arg1, %mul3A : i32
    %add3A = arith.addi %mul3A_0, %arg0 : i32
    %mul3A_1 = arith.constant 640 : i32
    %mul3A_2 = arith.muli %add3A, %mul3A_1 : i32
    "tpu.region"() ({
      %run_scoped3A = tpu.sem_alloc : memref<!tpu.dma_semaphore, #tpu.memory_space<semaphore_mem>>
      %dma_start3A_7 = tpu.memref_slice %arg3[%mul3A_2] : memref<20480xi32, #tpu.memory_space<hbm>> -> memref<640xi32, #tpu.memory_space<hbm>>
      %dma_start3A_8 = tpu.memref_slice %arg3[%mul3A_2] : memref<20480xi32, #tpu.memory_space<hbm>> -> memref<640xi32, #tpu.memory_space<hbm>>
      tpu.enqueue_dma source(%dma_start3A_8 : memref<640xi32, #tpu.memory_space<hbm>>) target(%arg5 : memref<640xi32, #tpu.memory_space<vmem>>) target_semaphore(%run_scoped3A : memref<!tpu.dma_semaphore, #tpu.memory_space<semaphore_mem>>)
      %dma_wait3A_9 = tpu.memref_slice %arg3[%mul3A_2] : memref<20480xi32, #tpu.memory_space<hbm>> -> memref<640xi32, #tpu.memory_space<hbm>>
      %dma_wait3A_10 = tpu.memref_slice %arg3[%mul3A_2] : memref<20480xi32, #tpu.memory_space<hbm>> -> memref<640xi32, #tpu.memory_space<hbm>>
      tpu.wait_dma2 semaphore(%run_scoped3A : memref<!tpu.dma_semaphore, #tpu.memory_space<semaphore_mem>>) src(%dma_wait3A_10 : memref<640xi32, #tpu.memory_space<hbm>>) dst(%arg5 : memref<640xi32, #tpu.memory_space<vmem>>)
      tpu.yield
    }) : () -> ()
    %dma_start3A = arith.constant 0 : i32
    %dma_start3A_3 = arith.constant 0 : i32
    %dma_start3A_4 = tpu.memref_slice %arg2[%dma_start3A, %dma_start3A_3] : memref<20480x32xf32, #tpu.memory_space<hbm>> -> memref<20480x32xf32, #tpu.memory_space<hbm>>
    tpu.enqueue_indirect_dma source(%dma_start3A_4 : memref<20480x32xf32, #tpu.memory_space<hbm>>) target(%arg6 : memref<640x32xf32, #tpu.memory_space<vmem>>) offsets(%arg5 : memref<640xi32, #tpu.memory_space<vmem>>) semaphore(%arg7 : memref<!tpu.dma_semaphore, #tpu.memory_space<semaphore_mem>>)
    %dma_wait3A = arith.constant 0 : i32
    %dma_wait3A_5 = arith.constant 0 : i32
    %dma_wait3A_6 = tpu.memref_slice %arg2[%dma_wait3A, %dma_wait3A_5] : memref<20480x32xf32, #tpu.memory_space<hbm>> -> memref<20480x32xf32, #tpu.memory_space<hbm>>
    tpu.wait_indirect_dma semaphore(%arg7 : memref<!tpu.dma_semaphore, #tpu.memory_space<semaphore_mem>>) src(%dma_wait3A_6 : memref<20480x32xf32, #tpu.memory_space<hbm>>) dst(%arg6 : memref<640x32xf32, #tpu.memory_space<vmem>>)
    "tpu.region"() ({
      %run_scoped3A = tpu.sem_alloc : memref<!tpu.dma_semaphore, #tpu.memory_space<semaphore_mem>>
      %dma_start3A_7 = arith.constant 0 : i32
      %dma_start3A_8 = tpu.memref_slice %arg4[%mul3A_2, %dma_start3A_7] : memref<20480x32xf32, #tpu.memory_space<hbm>> -> memref<640x32xf32, #tpu.memory_space<hbm>>
      %dma_start3A_9 = arith.constant 0 : i32
      %dma_start3A_10 = tpu.memref_slice %arg4[%mul3A_2, %dma_start3A_9] : memref<20480x32xf32, #tpu.memory_space<hbm>> -> memref<640x32xf32, #tpu.memory_space<hbm>>
      tpu.enqueue_dma source(%arg6 : memref<640x32xf32, #tpu.memory_space<vmem>>) target(%dma_start3A_10 : memref<640x32xf32, #tpu.memory_space<hbm>>) target_semaphore(%run_scoped3A : memref<!tpu.dma_semaphore, #tpu.memory_space<semaphore_mem>>)
      %dma_wait3A_11 = arith.constant 0 : i32
      %dma_wait3A_12 = tpu.memref_slice %arg4[%mul3A_2, %dma_wait3A_11] : memref<20480x32xf32, #tpu.memory_space<hbm>> -> memref<640x32xf32, #tpu.memory_space<hbm>>
      %dma_wait3A_13 = arith.constant 0 : i32
      %dma_wait3A_14 = tpu.memref_slice %arg4[%mul3A_2, %dma_wait3A_13] : memref<20480x32xf32, #tpu.memory_space<hbm>> -> memref<640x32xf32, #tpu.memory_space<hbm>>
      tpu.wait_dma2 semaphore(%run_scoped3A : memref<!tpu.dma_semaphore, #tpu.memory_space<semaphore_mem>>) src(%arg6 : memref<640x32xf32, #tpu.memory_space<vmem>>) dst(%dma_wait3A_14 : memref<640x32xf32, #tpu.memory_space<hbm>>)
      tpu.yield
    }) : () -> ()
    return
  }
}

module attributes {stable_mosaic.version = 14 : i64} {
  func.func @_encode_body(%arg0: i32, %arg1: memref<4096x256xf32, #tpu.memory_space<vmem>>, %arg2: memref<1x4096x32xf32, #tpu.memory_space<vmem>>, %arg3: memref<1x32x256xf32, #tpu.memory_space<vmem>>, %arg4: memref<1x1x32xf32, #tpu.memory_space<vmem>>, %arg5: memref<1x32x32xf32, #tpu.memory_space<vmem>>, %arg6: memref<1x1x32xf32, #tpu.memory_space<vmem>>, %arg7: memref<1x1x32xf32, #tpu.memory_space<vmem>>, %arg8: memref<1x1x32xf32, #tpu.memory_space<vmem>>, %arg9: memref<1x4096x32xf32, #tpu.memory_space<vmem>>, %arg10: memref<1x4096x32xf32, #tpu.memory_space<vmem>>, %arg11: memref<1x4096x32xf32, #tpu.memory_space<vmem>>) attributes {dimension_semantics = [#tpu.dimension_semantics<arbitrary>], iteration_bounds = array<i64: 5>, scalar_prefetch = 0 : i64, scratch_operands = 0 : i64, tpu.core_type = #tpu.core_type<tc>, window_params = [{pipeline_mode = #tpu.pipeline_mode<synchronous>, transform_indices = @transform_0, window_bounds = array<i64: 4096, 256>}, {transform_indices = @transform_1, window_bounds = array<i64: 1, 4096, 32>}, {transform_indices = @transform_2, window_bounds = array<i64: 1, 32, 256>}, {transform_indices = @transform_3, window_bounds = array<i64: 1, 1, 32>}, {transform_indices = @transform_4, window_bounds = array<i64: 1, 32, 32>}, {transform_indices = @transform_5, window_bounds = array<i64: 1, 1, 32>}, {transform_indices = @transform_6, window_bounds = array<i64: 1, 1, 32>}, {transform_indices = @transform_7, window_bounds = array<i64: 1, 1, 32>}, {transform_indices = @transform_8, window_bounds = array<i64: 1, 4096, 32>}, {transform_indices = @transform_9, window_bounds = array<i64: 1, 4096, 32>}, {transform_indices = @transform_10, window_bounds = array<i64: 1, 4096, 32>}]} {
    %get3A = arith.constant 0 : index
    %get3A_0 = arith.constant 0 : index
    %get3A_1 = vector.load %arg1[%get3A, %get3A_0] : memref<4096x256xf32, #tpu.memory_space<vmem>>, vector<4096x256xf32>
    %get3A_2 = arith.constant 0 : index
    %get3A_3 = arith.constant 0 : index
    %get3A_4 = arith.constant 0 : index
    %get3A_5 = vector.load %arg3[%get3A_2, %get3A_3, %get3A_4] : memref<1x32x256xf32, #tpu.memory_space<vmem>>, vector<1x32x256xf32>
    %get3A_6 = vector.shape_cast %get3A_5 : vector<1x32x256xf32> to vector<32x256xf32>
    %dot_general3A = arith.constant dense<0.000000e+00> : vector<4096x32xf32>
    %dot_general3A_7 = tpu.matmul %get3A_1, %get3A_6, %dot_general3A {dimension_numbers = #tpu.dot_dimension_numbers<[1], [1], [0], [0], [0, 0, 1, 0], [], []>, transpose_lhs_hint = false} : vector<4096x256xf32>, vector<32x256xf32>, vector<4096x32xf32> -> vector<4096x32xf32>
    %get3A_8 = arith.constant 0 : index
    %get3A_9 = arith.constant 0 : index
    %get3A_10 = arith.constant 0 : index
    %get3A_11 = vector.load %arg4[%get3A_8, %get3A_9, %get3A_10] : memref<1x1x32xf32, #tpu.memory_space<vmem>>, vector<1x1x32xf32>
    %get3A_12 = vector.shape_cast %get3A_11 : vector<1x1x32xf32> to vector<1x32xf32>
    %add3A = vector.broadcast %get3A_12 : vector<1x32xf32> to vector<4096x32xf32>
    %add3A_13 = arith.addf %dot_general3A_7, %add3A : vector<4096x32xf32>
    %mul3A = arith.constant 5.000000e-01 : f32
    %mul3A_14 = vector.broadcast %mul3A : f32 to vector<4096x32xf32>
    %mul3A_15 = arith.mulf %mul3A_14, %add3A_13 : vector<4096x32xf32>
    %mul3A_16 = arith.constant 0.707106769 : f32
    %mul3A_17 = vector.broadcast %mul3A_16 : f32 to vector<4096x32xf32>
    %mul3A_18 = arith.mulf %add3A_13, %mul3A_17 : vector<4096x32xf32>
    %erf3A = math.erf %mul3A_18 : vector<4096x32xf32>
    %add3A_19 = arith.constant 1.000000e+00 : f32
    %add3A_20 = vector.broadcast %add3A_19 : f32 to vector<4096x32xf32>
    %add3A_21 = arith.addf %add3A_20, %erf3A : vector<4096x32xf32>
    %mul3A_22 = arith.mulf %mul3A_15, %add3A_21 : vector<4096x32xf32>
    %get3A_23 = arith.constant 0 : index
    %get3A_24 = arith.constant 0 : index
    %get3A_25 = arith.constant 0 : index
    %get3A_26 = vector.load %arg5[%get3A_23, %get3A_24, %get3A_25] : memref<1x32x32xf32, #tpu.memory_space<vmem>>, vector<1x32x32xf32>
    %get3A_27 = vector.shape_cast %get3A_26 : vector<1x32x32xf32> to vector<32x32xf32>
    %dot_general3A_28 = arith.constant dense<0.000000e+00> : vector<4096x32xf32>
    %dot_general3A_29 = tpu.matmul %mul3A_22, %get3A_27, %dot_general3A_28 {dimension_numbers = #tpu.dot_dimension_numbers<[1], [1], [0], [0], [0, 0, 1, 0], [], []>, transpose_lhs_hint = false} : vector<4096x32xf32>, vector<32x32xf32>, vector<4096x32xf32> -> vector<4096x32xf32>
    %get3A_30 = arith.constant 0 : index
    %get3A_31 = arith.constant 0 : index
    %get3A_32 = arith.constant 0 : index
    %get3A_33 = vector.load %arg6[%get3A_30, %get3A_31, %get3A_32] : memref<1x1x32xf32, #tpu.memory_space<vmem>>, vector<1x1x32xf32>
    %get3A_34 = vector.shape_cast %get3A_33 : vector<1x1x32xf32> to vector<1x32xf32>
    %add3A_35 = vector.broadcast %get3A_34 : vector<1x32xf32> to vector<4096x32xf32>
    %add3A_36 = arith.addf %dot_general3A_29, %add3A_35 : vector<4096x32xf32>
    %reduce_sum3A = arith.constant dense<0.000000e+00> : vector<32xf32>
    %reduce_sum3A_37 = vector.multi_reduction <add>, %add3A_36, %reduce_sum3A [0] : vector<4096x32xf32> to vector<32xf32>
    %broadcast_in_dim3A = vector.shape_cast %reduce_sum3A_37 : vector<32xf32> to vector<1x32xf32>
    %div3A = arith.constant 4.096000e+03 : f32
    %div3A_38 = vector.broadcast %div3A : f32 to vector<1x32xf32>
    %div3A_39 = arith.divf %broadcast_in_dim3A, %div3A_38 : vector<1x32xf32>
    %sub3A = vector.broadcast %div3A_39 : vector<1x32xf32> to vector<4096x32xf32>
    %sub3A_40 = arith.subf %add3A_36, %sub3A : vector<4096x32xf32>
    %mul3A_41 = arith.mulf %sub3A_40, %sub3A_40 : vector<4096x32xf32>
    %reduce_sum3A_42 = arith.constant dense<0.000000e+00> : vector<32xf32>
    %reduce_sum3A_43 = vector.multi_reduction <add>, %mul3A_41, %reduce_sum3A_42 [0] : vector<4096x32xf32> to vector<32xf32>
    %broadcast_in_dim3A_44 = vector.shape_cast %reduce_sum3A_43 : vector<32xf32> to vector<1x32xf32>
    %div3A_45 = arith.constant 4.096000e+03 : f32
    %div3A_46 = vector.broadcast %div3A_45 : f32 to vector<1x32xf32>
    %div3A_47 = arith.divf %broadcast_in_dim3A_44, %div3A_46 : vector<1x32xf32>
    %add3A_48 = arith.constant 9.99999974E-6 : f32
    %add3A_49 = vector.broadcast %add3A_48 : f32 to vector<1x32xf32>
    %add3A_50 = arith.addf %div3A_47, %add3A_49 : vector<1x32xf32>
    %rsqrt3A = math.rsqrt %add3A_50 : vector<1x32xf32>
    %mul3A_51 = vector.broadcast %rsqrt3A : vector<1x32xf32> to vector<4096x32xf32>
    %mul3A_52 = arith.mulf %sub3A_40, %mul3A_51 : vector<4096x32xf32>
    %get3A_53 = arith.constant 0 : index
    %get3A_54 = arith.constant 0 : index
    %get3A_55 = arith.constant 0 : index
    %get3A_56 = vector.load %arg7[%get3A_53, %get3A_54, %get3A_55] : memref<1x1x32xf32, #tpu.memory_space<vmem>>, vector<1x1x32xf32>
    %get3A_57 = vector.shape_cast %get3A_56 : vector<1x1x32xf32> to vector<1x32xf32>
    %mul3A_58 = vector.broadcast %get3A_57 : vector<1x32xf32> to vector<4096x32xf32>
    %mul3A_59 = arith.mulf %mul3A_52, %mul3A_58 : vector<4096x32xf32>
    %get3A_60 = arith.constant 0 : index
    %get3A_61 = arith.constant 0 : index
    %get3A_62 = arith.constant 0 : index
    %get3A_63 = vector.load %arg8[%get3A_60, %get3A_61, %get3A_62] : memref<1x1x32xf32, #tpu.memory_space<vmem>>, vector<1x1x32xf32>
    %get3A_64 = vector.shape_cast %get3A_63 : vector<1x1x32xf32> to vector<1x32xf32>
    %add3A_65 = vector.broadcast %get3A_64 : vector<1x32xf32> to vector<4096x32xf32>
    %add3A_66 = arith.addf %mul3A_59, %add3A_65 : vector<4096x32xf32>
    %swap3A = arith.constant 0 : index
    %swap3A_67 = arith.constant 0 : index
    %swap3A_68 = arith.constant 0 : index
    %swap3A_69 = vector.load %arg9[%swap3A, %swap3A_67, %swap3A_68] : memref<1x4096x32xf32, #tpu.memory_space<vmem>>, vector<1x4096x32xf32>
    %swap3A_70 = vector.shape_cast %swap3A_69 : vector<1x4096x32xf32> to vector<4096x32xf32>
    %swap3A_71 = vector.shape_cast %add3A_66 : vector<4096x32xf32> to vector<1x4096x32xf32>
    tpu.vector_store %arg9[%swap3A, %swap3A_67, %swap3A_68], %swap3A_71 {strides = array<i32>} : memref<1x4096x32xf32, #tpu.memory_space<vmem>>, vector<1x4096x32xf32>,
    %mul3A_72 = arith.mulf %add3A_66, %add3A_66 : vector<4096x32xf32>
    %reduce_sum3A_73 = arith.constant dense<0.000000e+00> : vector<4096xf32>
    %reduce_sum3A_74 = vector.multi_reduction <add>, %mul3A_72, %reduce_sum3A_73 [1] : vector<4096x32xf32> to vector<4096xf32>
    %broadcast_in_dim3A_75 = vector.shape_cast %reduce_sum3A_74 : vector<4096xf32> to vector<4096x1xf32>
    %sqrt3A = math.sqrt %broadcast_in_dim3A_75 : vector<4096x1xf32>
    %add3A_76 = arith.constant 9.99999996E-13 : f32
    %add3A_77 = vector.broadcast %add3A_76 : f32 to vector<4096x1xf32>
    %add3A_78 = arith.addf %sqrt3A, %add3A_77 : vector<4096x1xf32>
    %div3A_79 = vector.broadcast %add3A_78 : vector<4096x1xf32> to vector<4096x32xf32>
    %div3A_80 = arith.divf %add3A_66, %div3A_79 : vector<4096x32xf32>
    %swap3A_81 = arith.constant 0 : index
    %swap3A_82 = arith.constant 0 : index
    %swap3A_83 = arith.constant 0 : index
    %swap3A_84 = vector.load %arg10[%swap3A_81, %swap3A_82, %swap3A_83] : memref<1x4096x32xf32, #tpu.memory_space<vmem>>, vector<1x4096x32xf32>
    %swap3A_85 = vector.shape_cast %swap3A_84 : vector<1x4096x32xf32> to vector<4096x32xf32>
    %swap3A_86 = vector.shape_cast %div3A_80 : vector<4096x32xf32> to vector<1x4096x32xf32>
    tpu.vector_store %arg10[%swap3A_81, %swap3A_82, %swap3A_83], %swap3A_86 {strides = array<i32>} : memref<1x4096x32xf32, #tpu.memory_space<vmem>>, vector<1x4096x32xf32>,
    %get3A_87 = arith.constant 0 : index
    %get3A_88 = arith.constant 0 : index
    %get3A_89 = arith.constant 0 : index
    %get3A_90 = vector.load %arg2[%get3A_87, %get3A_88, %get3A_89] : memref<1x4096x32xf32, #tpu.memory_space<vmem>>, vector<1x4096x32xf32>
    %get3A_91 = vector.shape_cast %get3A_90 : vector<1x4096x32xf32> to vector<4096x32xf32>
    %mul3A_92 = arith.mulf %get3A_91, %get3A_91 : vector<4096x32xf32>
    %reduce_sum3A_93 = arith.constant dense<0.000000e+00> : vector<4096xf32>
    %reduce_sum3A_94 = vector.multi_reduction <add>, %mul3A_92, %reduce_sum3A_93 [1] : vector<4096x32xf32> to vector<4096xf32>
    %broadcast_in_dim3A_95 = vector.shape_cast %reduce_sum3A_94 : vector<4096xf32> to vector<4096x1xf32>
    %sqrt3A_96 = math.sqrt %broadcast_in_dim3A_95 : vector<4096x1xf32>
    %add3A_97 = arith.constant 9.99999996E-13 : f32
    %add3A_98 = vector.broadcast %add3A_97 : f32 to vector<4096x1xf32>
    %add3A_99 = arith.addf %sqrt3A_96, %add3A_98 : vector<4096x1xf32>
    %div3A_100 = vector.broadcast %add3A_99 : vector<4096x1xf32> to vector<4096x32xf32>
    %div3A_101 = arith.divf %get3A_91, %div3A_100 : vector<4096x32xf32>
    %swap3A_102 = arith.constant 0 : index
    %swap3A_103 = arith.constant 0 : index
    %swap3A_104 = arith.constant 0 : index
    %swap3A_105 = vector.load %arg11[%swap3A_102, %swap3A_103, %swap3A_104] : memref<1x4096x32xf32, #tpu.memory_space<vmem>>, vector<1x4096x32xf32>
    %swap3A_106 = vector.shape_cast %swap3A_105 : vector<1x4096x32xf32> to vector<4096x32xf32>
    %swap3A_107 = vector.shape_cast %div3A_101 : vector<4096x32xf32> to vector<1x4096x32xf32>
    tpu.vector_store %arg11[%swap3A_102, %swap3A_103, %swap3A_104], %swap3A_107 {strides = array<i32>} : memref<1x4096x32xf32, #tpu.memory_space<vmem>>, vector<1x4096x32xf32>,
    return
  }
  func.func @transform_0(%arg0: i32) -> (i32, i32) {
    %c0_i32 = arith.constant 0 : i32
    %c0_i32_0 = arith.constant 0 : i32
    %c0_i32_1 = arith.constant 0 : i32
    return %c0_i32, %c0_i32_0 : i32, i32
  }
  func.func @transform_1(%arg0: i32) -> (i32, i32, i32) {
    %c0_i32 = arith.constant 0 : i32
    %c0_i32_0 = arith.constant 0 : i32
    %c0_i32_1 = arith.constant 0 : i32
    return %arg0, %c0_i32, %c0_i32_0 : i32, i32, i32
  }
  func.func @transform_2(%arg0: i32) -> (i32, i32, i32) {
    %c0_i32 = arith.constant 0 : i32
    %c0_i32_0 = arith.constant 0 : i32
    %c0_i32_1 = arith.constant 0 : i32
    return %arg0, %c0_i32, %c0_i32_0 : i32, i32, i32
  }
  func.func @transform_3(%arg0: i32) -> (i32, i32, i32) {
    %c0_i32 = arith.constant 0 : i32
    %c0_i32_0 = arith.constant 0 : i32
    %c0_i32_1 = arith.constant 0 : i32
    return %arg0, %c0_i32, %c0_i32_0 : i32, i32, i32
  }
  func.func @transform_4(%arg0: i32) -> (i32, i32, i32) {
    %c0_i32 = arith.constant 0 : i32
    %c0_i32_0 = arith.constant 0 : i32
    %c0_i32_1 = arith.constant 0 : i32
    return %arg0, %c0_i32, %c0_i32_0 : i32, i32, i32
  }
  func.func @transform_5(%arg0: i32) -> (i32, i32, i32) {
    %c0_i32 = arith.constant 0 : i32
    %c0_i32_0 = arith.constant 0 : i32
    %c0_i32_1 = arith.constant 0 : i32
    return %arg0, %c0_i32, %c0_i32_0 : i32, i32, i32
  }
  func.func @transform_6(%arg0: i32) -> (i32, i32, i32) {
    %c0_i32 = arith.constant 0 : i32
    %c0_i32_0 = arith.constant 0 : i32
    %c0_i32_1 = arith.constant 0 : i32
    return %arg0, %c0_i32, %c0_i32_0 : i32, i32, i32
  }
  func.func @transform_7(%arg0: i32) -> (i32, i32, i32) {
    %c0_i32 = arith.constant 0 : i32
    %c0_i32_0 = arith.constant 0 : i32
    %c0_i32_1 = arith.constant 0 : i32
    return %arg0, %c0_i32, %c0_i32_0 : i32, i32, i32
  }
  func.func @transform_8(%arg0: i32) -> (i32, i32, i32) {
    %c0_i32 = arith.constant 0 : i32
    %c0_i32_0 = arith.constant 0 : i32
    %c0_i32_1 = arith.constant 0 : i32
    return %arg0, %c0_i32, %c0_i32_0 : i32, i32, i32
  }
  func.func @transform_9(%arg0: i32) -> (i32, i32, i32) {
    %c0_i32 = arith.constant 0 : i32
    %c0_i32_0 = arith.constant 0 : i32
    %c0_i32_1 = arith.constant 0 : i32
    return %arg0, %c0_i32, %c0_i32_0 : i32, i32, i32
  }
  func.func @transform_10(%arg0: i32) -> (i32, i32, i32) {
    %c0_i32 = arith.constant 0 : i32
    %c0_i32_0 = arith.constant 0 : i32
    %c0_i32_1 = arith.constant 0 : i32
    return %arg0, %c0_i32, %c0_i32_0 : i32, i32, i32
  }
}

module attributes {stable_mosaic.version = 14 : i64} {
  func.func @_pass1_body(%arg0: i32, %arg1: i32, %arg2: memref<1x1024x32xf32, #tpu.memory_space<vmem>>, %arg3: memref<1x4096x32xf32, #tpu.memory_space<vmem>>, %arg4: memref<1x1x1024xf32, #tpu.memory_space<vmem>>, %arg5: memref<1x1x1024xi32, #tpu.memory_space<vmem>>) attributes {dimension_semantics = [#tpu.dimension_semantics<arbitrary>, #tpu.dimension_semantics<arbitrary>], iteration_bounds = array<i64: 5, 4>, scalar_prefetch = 0 : i64, scratch_operands = 0 : i64, tpu.core_type = #tpu.core_type<tc>, window_params = [{transform_indices = @transform_0, window_bounds = array<i64: 1, 1024, 32>}, {transform_indices = @transform_1, window_bounds = array<i64: 1, 4096, 32>}, {transform_indices = @transform_2, window_bounds = array<i64: 1, 1, 1024>}, {transform_indices = @transform_3, window_bounds = array<i64: 1, 1, 1024>}]} {
    %get3A = arith.constant 0 : index
    %get3A_0 = arith.constant 0 : index
    %get3A_1 = arith.constant 0 : index
    %get3A_2 = vector.load %arg2[%get3A, %get3A_0, %get3A_1] : memref<1x1024x32xf32, #tpu.memory_space<vmem>>, vector<1x1024x32xf32>
    %get3A_3 = vector.shape_cast %get3A_2 : vector<1x1024x32xf32> to vector<1024x32xf32>
    %get3A_4 = arith.constant 0 : index
    %get3A_5 = arith.constant 0 : index
    %get3A_6 = arith.constant 0 : index
    %get3A_7 = vector.load %arg3[%get3A_4, %get3A_5, %get3A_6] : memref<1x4096x32xf32, #tpu.memory_space<vmem>>, vector<1x4096x32xf32>
    %get3A_8 = vector.shape_cast %get3A_7 : vector<1x4096x32xf32> to vector<4096x32xf32>
    %dot_general3A = arith.constant dense<0.000000e+00> : vector<1024x4096xf32>
    %dot_general3A_9 = tpu.matmul %get3A_3, %get3A_8, %dot_general3A {dimension_numbers = #tpu.dot_dimension_numbers<[1], [1], [0], [0], [0, 0, 1, 0], [], []>, transpose_lhs_hint = false} : vector<1024x32xf32>, vector<4096x32xf32>, vector<1024x4096xf32> -> vector<1024x4096xf32>
    %mul3A = arith.constant 2.000000e+00 : f32
    %mul3A_10 = vector.broadcast %mul3A : f32 to vector<1024x4096xf32>
    %mul3A_11 = arith.mulf %dot_general3A_9, %mul3A_10 : vector<1024x4096xf32>
    %exp3A = math.exp %mul3A_11 : vector<1024x4096xf32>
    %reduce_sum3A = arith.constant dense<0.000000e+00> : vector<1024xf32>
    %reduce_sum3A_12 = vector.multi_reduction <add>, %exp3A, %reduce_sum3A [1] : vector<1024x4096xf32> to vector<1024xf32>
    %swap3A = arith.constant 0 : index
    %swap3A_13 = arith.constant 0 : index
    %swap3A_14 = arith.constant 0 : index
    %swap3A_15 = vector.load %arg4[%swap3A, %swap3A_13, %swap3A_14] : memref<1x1x1024xf32, #tpu.memory_space<vmem>>, vector<1x1x1024xf32>
    %swap3A_16 = vector.shape_cast %swap3A_15 : vector<1x1x1024xf32> to vector<1024xf32>
    %swap3A_17 = vector.shape_cast %reduce_sum3A_12 : vector<1024xf32> to vector<1x1x1024xf32>
    tpu.vector_store %arg4[%swap3A, %swap3A_13, %swap3A_14], %swap3A_17 {strides = array<i32>} : memref<1x1x1024xf32, #tpu.memory_space<vmem>>, vector<1x1x1024xf32>,
    %argmax3A = tpu.reduce_index %dot_general3A_9 {axis = 1 : i32, kind = #tpu.reduction_kind<arg_max>} : vector<1024x4096xf32> -> vector<1024xi32>
    %mul3A_18 = arith.constant 4096 : i32
    %mul3A_19 = arith.muli %arg0, %mul3A_18 : i32
    %add3A = vector.broadcast %mul3A_19 : i32 to vector<1024xi32>
    %add3A_20 = arith.addi %argmax3A, %add3A : vector<1024xi32>
    %swap3A_21 = arith.constant 0 : index
    %swap3A_22 = arith.constant 0 : index
    %swap3A_23 = arith.constant 0 : index
    %swap3A_24 = vector.load %arg5[%swap3A_21, %swap3A_22, %swap3A_23] : memref<1x1x1024xi32, #tpu.memory_space<vmem>>, vector<1x1x1024xi32>
    %swap3A_25 = vector.shape_cast %swap3A_24 : vector<1x1x1024xi32> to vector<1024xi32>
    %swap3A_26 = vector.shape_cast %add3A_20 : vector<1024xi32> to vector<1x1x1024xi32>
    tpu.vector_store %arg5[%swap3A_21, %swap3A_22, %swap3A_23], %swap3A_26 {strides = array<i32>} : memref<1x1x1024xi32, #tpu.memory_space<vmem>>, vector<1x1x1024xi32>,
    return
  }
  func.func @transform_0(%arg0: i32, %arg1: i32) -> (i32, i32, i32) {
    %c0_i32 = arith.constant 0 : i32
    %c0_i32_0 = arith.constant 0 : i32
    return %arg0, %arg1, %c0_i32 : i32, i32, i32
  }
  func.func @transform_1(%arg0: i32, %arg1: i32) -> (i32, i32, i32) {
    %c0_i32 = arith.constant 0 : i32
    %c0_i32_0 = arith.constant 0 : i32
    %c0_i32_1 = arith.constant 0 : i32
    return %arg0, %c0_i32, %c0_i32_0 : i32, i32, i32
  }
  func.func @transform_2(%arg0: i32, %arg1: i32) -> (i32, i32, i32) {
    %mul3A = arith.constant 4 : i32
    %mul3A_0 = arith.muli %arg0, %mul3A : i32
    %add3A = arith.addi %mul3A_0, %arg1 : i32
    %c0_i32 = arith.constant 0 : i32
    %c0_i32_1 = arith.constant 0 : i32
    %c0_i32_2 = arith.constant 0 : i32
    return %add3A, %c0_i32, %c0_i32_1 : i32, i32, i32
  }
  func.func @transform_3(%arg0: i32, %arg1: i32) -> (i32, i32, i32) {
    %mul3A = arith.constant 4 : i32
    %mul3A_0 = arith.muli %arg0, %mul3A : i32
    %add3A = arith.addi %mul3A_0, %arg1 : i32
    %c0_i32 = arith.constant 0 : i32
    %c0_i32_1 = arith.constant 0 : i32
    %c0_i32_2 = arith.constant 0 : i32
    return %add3A, %c0_i32, %c0_i32_1 : i32, i32, i32
  }
}

module attributes {stable_mosaic.version = 14 : i64} {
  func.func @_pass2_body(%arg0: i32, %arg1: i32, %arg2: memref<1x1024x32xf32, #tpu.memory_space<vmem>>, %arg3: memref<1x1024x32xf32, #tpu.memory_space<vmem>>, %arg4: memref<1x4096x32xf32, #tpu.memory_space<vmem>>, %arg5: memref<1x1x1024xf32, #tpu.memory_space<vmem>>, %arg6: memref<1x1xf32, #tpu.memory_space<vmem>>) attributes {dimension_semantics = [#tpu.dimension_semantics<arbitrary>, #tpu.dimension_semantics<arbitrary>], iteration_bounds = array<i64: 5, 4>, scalar_prefetch = 0 : i64, scratch_operands = 0 : i64, tpu.core_type = #tpu.core_type<tc>, window_params = [{transform_indices = @transform_0, window_bounds = array<i64: 1, 1024, 32>}, {transform_indices = @transform_1, window_bounds = array<i64: 1, 1024, 32>}, {transform_indices = @transform_2, window_bounds = array<i64: 1, 4096, 32>}, {transform_indices = @transform_3, window_bounds = array<i64: 1, 1, 1024>}, {pipeline_mode = #tpu.pipeline_mode<synchronous>, transform_indices = @transform_4, window_bounds = array<i64: 1, 1>}]} {
    %get3A = arith.constant 0 : index
    %get3A_0 = arith.constant 0 : index
    %get3A_1 = arith.constant 0 : index
    %get3A_2 = vector.load %arg2[%get3A, %get3A_0, %get3A_1] : memref<1x1024x32xf32, #tpu.memory_space<vmem>>, vector<1x1024x32xf32>
    %get3A_3 = vector.shape_cast %get3A_2 : vector<1x1024x32xf32> to vector<1024x32xf32>
    %get3A_4 = arith.constant 0 : index
    %get3A_5 = arith.constant 0 : index
    %get3A_6 = arith.constant 0 : index
    %get3A_7 = vector.load %arg3[%get3A_4, %get3A_5, %get3A_6] : memref<1x1024x32xf32, #tpu.memory_space<vmem>>, vector<1x1024x32xf32>
    %get3A_8 = vector.shape_cast %get3A_7 : vector<1x1024x32xf32> to vector<1024x32xf32>
    %get3A_9 = arith.constant 0 : index
    %get3A_10 = arith.constant 0 : index
    %get3A_11 = arith.constant 0 : index
    %get3A_12 = vector.load %arg4[%get3A_9, %get3A_10, %get3A_11] : memref<1x4096x32xf32, #tpu.memory_space<vmem>>, vector<1x4096x32xf32>
    %get3A_13 = vector.shape_cast %get3A_12 : vector<1x4096x32xf32> to vector<4096x32xf32>
    %dot_general3A = arith.constant dense<0.000000e+00> : vector<1024x4096xf32>
    %dot_general3A_14 = tpu.matmul %get3A_3, %get3A_13, %dot_general3A {dimension_numbers = #tpu.dot_dimension_numbers<[1], [1], [0], [0], [0, 0, 1, 0], [], []>, transpose_lhs_hint = false} : vector<1024x32xf32>, vector<4096x32xf32>, vector<1024x4096xf32> -> vector<1024x4096xf32>
    %dot_general3A_15 = arith.constant dense<0.000000e+00> : vector<1024x4096xf32>
    %dot_general3A_16 = tpu.matmul %get3A_8, %get3A_13, %dot_general3A_15 {dimension_numbers = #tpu.dot_dimension_numbers<[1], [1], [0], [0], [0, 0, 1, 0], [], []>, transpose_lhs_hint = false} : vector<1024x32xf32>, vector<4096x32xf32>, vector<1024x4096xf32> -> vector<1024x4096xf32>
    %reduce_max3A = arith.constant dense<0xFF800000> : vector<1024xf32>
    %reduce_max3A_17 = vector.multi_reduction <maximumf>, %dot_general3A_14, %reduce_max3A [1] : vector<1024x4096xf32> to vector<1024xf32>
    %broadcast_in_dim3A = vector.shape_cast %reduce_max3A_17 : vector<1024xf32> to vector<1024x1xf32>
    %lt3A = vector.broadcast %broadcast_in_dim3A : vector<1024x1xf32> to vector<1024x4096xf32>
    %lt3A_18 = arith.cmpf olt, %dot_general3A_14, %lt3A : vector<1024x4096xf32>
    %jit3A = arith.constant -3.000000e+00 : f32
    %broadcast_in_dim3A_19 = vector.broadcast %jit3A : f32 to vector<1024x4096xf32>
    %select_n3A = arith.select %lt3A_18, %dot_general3A_14, %broadcast_in_dim3A_19 : vector<1024x4096xi1>, vector<1024x4096xf32>
    %reduce_max3A_20 = arith.constant dense<0xFF800000> : vector<1024xf32>
    %reduce_max3A_21 = vector.multi_reduction <maximumf>, %select_n3A, %reduce_max3A_20 [1] : vector<1024x4096xf32> to vector<1024xf32>
    %broadcast_in_dim3A_22 = vector.shape_cast %reduce_max3A_21 : vector<1024xf32> to vector<1024x1xf32>
    %lt3A_23 = vector.broadcast %broadcast_in_dim3A_22 : vector<1024x1xf32> to vector<1024x4096xf32>
    %lt3A_24 = arith.cmpf olt, %dot_general3A_14, %lt3A_23 : vector<1024x4096xf32>
    %jit3A_25 = arith.constant -3.000000e+00 : f32
    %broadcast_in_dim3A_26 = vector.broadcast %jit3A_25 : f32 to vector<1024x4096xf32>
    %select_n3A_27 = arith.select %lt3A_24, %dot_general3A_14, %broadcast_in_dim3A_26 : vector<1024x4096xi1>, vector<1024x4096xf32>
    %reduce_max3A_28 = arith.constant dense<0xFF800000> : vector<1024xf32>
    %reduce_max3A_29 = vector.multi_reduction <maximumf>, %select_n3A_27, %reduce_max3A_28 [1] : vector<1024x4096xf32> to vector<1024xf32>
    %broadcast_in_dim3A_30 = vector.shape_cast %reduce_max3A_29 : vector<1024xf32> to vector<1024x1xf32>
    %lt3A_31 = vector.broadcast %broadcast_in_dim3A_30 : vector<1024x1xf32> to vector<1024x4096xf32>
    %lt3A_32 = arith.cmpf olt, %dot_general3A_14, %lt3A_31 : vector<1024x4096xf32>
    %jit3A_33 = arith.constant -3.000000e+00 : f32
    %broadcast_in_dim3A_34 = vector.broadcast %jit3A_33 : f32 to vector<1024x4096xf32>
    %select_n3A_35 = arith.select %lt3A_32, %dot_general3A_14, %broadcast_in_dim3A_34 : vector<1024x4096xi1>, vector<1024x4096xf32>
    %reduce_max3A_36 = arith.constant dense<0xFF800000> : vector<1024xf32>
    %reduce_max3A_37 = vector.multi_reduction <maximumf>, %select_n3A_35, %reduce_max3A_36 [1] : vector<1024x4096xf32> to vector<1024xf32>
    %broadcast_in_dim3A_38 = vector.shape_cast %reduce_max3A_37 : vector<1024xf32> to vector<1024x1xf32>
    %lt3A_39 = vector.broadcast %broadcast_in_dim3A_38 : vector<1024x1xf32> to vector<1024x4096xf32>
    %lt3A_40 = arith.cmpf olt, %dot_general3A_14, %lt3A_39 : vector<1024x4096xf32>
    %jit3A_41 = arith.constant -3.000000e+00 : f32
    %broadcast_in_dim3A_42 = vector.broadcast %jit3A_41 : f32 to vector<1024x4096xf32>
    %select_n3A_43 = arith.select %lt3A_40, %dot_general3A_14, %broadcast_in_dim3A_42 : vector<1024x4096xi1>, vector<1024x4096xf32>
    %reduce_max3A_44 = arith.constant dense<0xFF800000> : vector<1024xf32>
    %reduce_max3A_45 = vector.multi_reduction <maximumf>, %select_n3A_43, %reduce_max3A_44 [1] : vector<1024x4096xf32> to vector<1024xf32>
    %broadcast_in_dim3A_46 = vector.shape_cast %reduce_max3A_45 : vector<1024xf32> to vector<1024x1xf32>
    %lt3A_47 = vector.broadcast %broadcast_in_dim3A_46 : vector<1024x1xf32> to vector<1024x4096xf32>
    %lt3A_48 = arith.cmpf olt, %dot_general3A_14, %lt3A_47 : vector<1024x4096xf32>
    %jit3A_49 = arith.constant -3.000000e+00 : f32
    %broadcast_in_dim3A_50 = vector.broadcast %jit3A_49 : f32 to vector<1024x4096xf32>
    %select_n3A_51 = arith.select %lt3A_48, %dot_general3A_14, %broadcast_in_dim3A_50 : vector<1024x4096xi1>, vector<1024x4096xf32>
    %reduce_max3A_52 = arith.constant dense<0xFF800000> : vector<1024xf32>
    %reduce_max3A_53 = vector.multi_reduction <maximumf>, %select_n3A_51, %reduce_max3A_52 [1] : vector<1024x4096xf32> to vector<1024xf32>
    %broadcast_in_dim3A_54 = vector.shape_cast %reduce_max3A_53 : vector<1024xf32> to vector<1024x1xf32>
    %ge3A = vector.broadcast %broadcast_in_dim3A_54 : vector<1024x1xf32> to vector<1024x4096xf32>
    %ge3A_55 = arith.cmpf oge, %dot_general3A_14, %ge3A : vector<1024x4096xf32>
    %mul3A = arith.constant 2.000000e+00 : f32
    %mul3A_56 = vector.broadcast %mul3A : f32 to vector<1024x4096xf32>
    %mul3A_57 = arith.mulf %dot_general3A_16, %mul3A_56 : vector<1024x4096xf32>
    %exp3A = math.exp %mul3A_57 : vector<1024x4096xf32>
    %jit3A_58 = arith.constant 0.000000e+00 : f32
    %broadcast_in_dim3A_59 = vector.broadcast %jit3A_58 : f32 to vector<1024x4096xf32>
    %select_n3A_60 = arith.select %ge3A_55, %exp3A, %broadcast_in_dim3A_59 : vector<1024x4096xi1>, vector<1024x4096xf32>
    %reduce_sum3A = arith.constant dense<0.000000e+00> : vector<1024xf32>
    %reduce_sum3A_61 = vector.multi_reduction <add>, %select_n3A_60, %reduce_sum3A [1] : vector<1024x4096xf32> to vector<1024xf32>
    %get3A_62 = arith.constant 0 : index
    %get3A_63 = arith.constant 0 : index
    %get3A_64 = arith.constant 0 : index
    %get3A_65 = vector.load %arg5[%get3A_62, %get3A_63, %get3A_64] : memref<1x1x1024xf32, #tpu.memory_space<vmem>>, vector<1x1x1024xf32>
    %get3A_66 = vector.shape_cast %get3A_65 : vector<1x1x1024xf32> to vector<1024xf32>
    %log3A = math.log %get3A_66 : vector<1024xf32>
    %log3A_67 = math.log %reduce_sum3A_61 : vector<1024xf32>
    %sub3A = arith.subf %log3A, %log3A_67 : vector<1024xf32>
    %reduce_sum3A_68 = vector.shape_cast %sub3A : vector<1024xf32> to vector<1x1024xf32>
    %reduce_sum3A_69 = arith.constant dense<0.000000e+00> : vector<1xf32>
    %reduce_sum3A_70 = vector.multi_reduction <add>, %reduce_sum3A_68, %reduce_sum3A_69 [1] : vector<1x1024xf32> to vector<1xf32>
    %reduce_sum3A_71 = vector.shape_cast %reduce_sum3A_70 : vector<1xf32> to vector<1x1xf32>
    %reduce_sum3A_72 = vector.extract %reduce_sum3A_71[0, 0] : f32 from vector<1x1xf32>
    %reshape3A = vector.broadcast %reduce_sum3A_72 : f32 to vector<1x1xf32>
    %eq3A = arith.constant 0 : i32
    %eq3A_73 = arith.cmpi eq, %arg0, %eq3A : i32
    %eq3A_74 = arith.constant 0 : i32
    %eq3A_75 = arith.cmpi eq, %arg1, %eq3A_74 : i32
    %and3A = arith.andi %eq3A_73, %eq3A_75 : i1
    %convert_element_type3A = arith.extui %and3A : i1 to i32
    %cond3A = arith.constant 0 : i32
    %cond3A_76 = arith.cmpi ne, %convert_element_type3A, %cond3A : i32
    scf.if %cond3A_76 {
      %broadcast_in_dim3A_82 = arith.constant 0.000000e+00 : f32
      %broadcast_in_dim3A_83 = vector.broadcast %broadcast_in_dim3A_82 : f32 to vector<1x1xf32>
      %swap3A_84 = arith.constant 0 : index
      %swap3A_85 = arith.constant 0 : index
      %swap3A_86 = vector.load %arg6[%swap3A_84, %swap3A_85] : memref<1x1xf32, #tpu.memory_space<vmem>>, vector<1x1xf32>
      tpu.vector_store %arg6[%swap3A_84, %swap3A_85], %broadcast_in_dim3A_83 {strides = array<i32>} : memref<1x1xf32, #tpu.memory_space<vmem>>, vector<1x1xf32>,
    } else {
    }
    %get3A_77 = arith.constant 0 : index
    %get3A_78 = arith.constant 0 : index
    %get3A_79 = vector.load %arg6[%get3A_77, %get3A_78] : memref<1x1xf32, #tpu.memory_space<vmem>>, vector<1x1xf32>
    %add3A = arith.addf %get3A_79, %reshape3A : vector<1x1xf32>
    %swap3A = arith.constant 0 : index
    %swap3A_80 = arith.constant 0 : index
    %swap3A_81 = vector.load %arg6[%swap3A, %swap3A_80] : memref<1x1xf32, #tpu.memory_space<vmem>>, vector<1x1xf32>
    tpu.vector_store %arg6[%swap3A, %swap3A_80], %add3A {strides = array<i32>} : memref<1x1xf32, #tpu.memory_space<vmem>>, vector<1x1xf32>,
    return
  }
  func.func @transform_0(%arg0: i32, %arg1: i32) -> (i32, i32, i32) {
    %c0_i32 = arith.constant 0 : i32
    %c0_i32_0 = arith.constant 0 : i32
    return %arg0, %arg1, %c0_i32 : i32, i32, i32
  }
  func.func @transform_1(%arg0: i32, %arg1: i32) -> (i32, i32, i32) {
    %c0_i32 = arith.constant 0 : i32
    %c0_i32_0 = arith.constant 0 : i32
    return %arg0, %arg1, %c0_i32 : i32, i32, i32
  }
  func.func @transform_2(%arg0: i32, %arg1: i32) -> (i32, i32, i32) {
    %c0_i32 = arith.constant 0 : i32
    %c0_i32_0 = arith.constant 0 : i32
    %c0_i32_1 = arith.constant 0 : i32
    return %arg0, %c0_i32, %c0_i32_0 : i32, i32, i32
  }
  func.func @transform_3(%arg0: i32, %arg1: i32) -> (i32, i32, i32) {
    %mul3A = arith.constant 4 : i32
    %mul3A_0 = arith.muli %arg0, %mul3A : i32
    %add3A = arith.addi %mul3A_0, %arg1 : i32
    %c0_i32 = arith.constant 0 : i32
    %c0_i32_1 = arith.constant 0 : i32
    %c0_i32_2 = arith.constant 0 : i32
    return %add3A, %c0_i32, %c0_i32_1 : i32, i32, i32
  }
  func.func @transform_4(%arg0: i32, %arg1: i32) -> (i32, i32) {
    %c0_i32 = arith.constant 0 : i32
    %c0_i32_0 = arith.constant 0 : i32
    %c0_i32_1 = arith.constant 0 : i32
    return %c0_i32, %c0_i32_0 : i32, i32
  }
}

</mosaic_0001>

<sc_bundles>
// kernel: kernel.6.cloned.1.call-start
scs
__scs_entry_jumppad:
0x0: {  	(pc) =	sbr.rel $0x88, $3  }
0x1: {  	(tag) =	ssettag $0x0;
	lr =	simm.s32 $0x1  }
0x2: {  	[smem:$0x3F99] =	sst lr;
	_ =	strace $0xD0000000  }
0x3: {  	_ = 	snop  }
0x4: {  	_ = 	snop  }
0x5: {  	_ = 	snop  }
0x6: {  	_ = 	snop  }
0x7: {  	_ = 	snop  }
__scs_overlays_trampoline_lowered:
0x8: {  	[smem:$0x3FA8] =	sst s0  }
0x9: {  	[smem:$0x3FA9] =	sst s1  }
0xa: {  	[smem:$0x3FAA] =	sst s2  }
0xb: {  	[smem:$0x3FAB] =	sst s3  }
0xc: {  	[smem:$0x3FAC] =	sst s4  }
0xd: {  	[smem:$0x3FAD] =	sst s5  }
0xe: {  	[smem:$0x3FAE] =	sst s6  }
0xf: {  	[smem:$0x3FAF] =	sst s7  }
0x10: {  	[smem:$0x3FB0] =	sst s8  }
0x11: {  	[smem:$0x3FB1] =	sst s9;
	s0 =	simm.s32 @!p0 $0x0  }
0x12: {  	s1 =	sld [smem:$0x3F97];
	s0 =	simm.s32 @p0 $0x1  }
0x13: {  	[smem:$0x3FB2] =	sst s0;
	s0 =	simm.s32 @!p1 $0x0  }
0x14: {  	s2 =	sld [smem:$0x3F96];
	s0 =	simm.s32 @p1 $0x1  }
0x15: {  	[smem:$0x3FB3] =	sst s0;
	s0 =	simm.s32 @!p2 $0x0  }
0x16: {  	s3 =	sld [smem:$0x3FDB];
	s0 =	simm.s32 @p2 $0x1  }
0x17: {  	s4 =	simm.s32 $0x1BF5;
	[smem:$0x3FB5] =	sst s0  }
0x18: {  	s0 =	sld [smem:$0x3F98];
	_ =	swait.ge [sflag:s4], $0x0  }
0x19: {  	s7 =	sld [smem:$0x3F99]  }
0x1a: {  	s8 =	sadd.s32 $0xFFFFE003, lr  }
0x1b: {  	s9 =	sadd.s32 $0xFFFFFEF7, lr;
	s5 =	simm.s32 $0xFFFFFFFF;
	p2 =	slt.u32 s8, $0xFFFFF086  }
0x1c: {  	p1 =	slt.u32 s9, $0xF7A;
	s5 =	simm.s32 @!p2 $0x0  }
0x1d: {  	s5 =	simm.s32 @p1 $0x1;
	p0 =	seq.s32 s7, s2  }
0x1e: {  	s7 =	smul.u32 @!p0 $0xF7A, s2;
	p2 =	seq.s32 @!p0 s5, $0x0  }
0x1f: {  	s9 =	smul.u32 $0xF7A, s1;
	s8 =	simm.s32 @!p0 $0x1BF5;
	p2 =	por !p2, p0  }
0x20: {  	[sflag:s8] =	ssyncset.s32 @!p0 $0xFFFFF086;
	s6 =	sadd.s32 @!p0 s3, s7;
	s7 =	simm.s32 @!p0 $0x108  }
0x21: {  	s3 =	sadd.s32 s3, s9;
	s6 =	sadd.s32 @!p0 $0x88, s6;
	s7 =	simm.s32 @p2 $0x1082  }
0x22: {  	[simem:s7], [sflag:s8] =	dma.local @!p0 [hbm:s6], $0xF7A  }
0x23: {  	s9 =	sor.u32 $0xD0000000, s2;
	s6 =	simm.s32 $0x108;
	_ =	swait.ge @!p0 [sflag:s8], $0x0  }
0x24: {  	s3 =	sadd.s32 $0x88, s3;
	s6 =	simm.s32 @!p1 $0x1082;
	[sflag:s4] =	ssyncset.s32 $0xFFFFF086  }
0x25: {  	[simem:s6], [sflag:s4] =	dma.local [hbm:s3], $0xF7A  }
0x26: {  	[smem:$0x3F99] =	sst s1;
	(tag) =	ssettag s2;
	_ =	strace s9  }
0x27: {  	s1 =	sld [smem:$0x3FA9]  }
0x28: {  	s2 =	sld [smem:$0x3FAA]  }
0x29: {  	s4 =	sld [smem:$0x3FAC]  }
0x2a: {  	p0 =	seq.s32 s5, $0x0;
	s5 =	sld [smem:$0x3FAD]  }
0x2b: {  	s6 =	sld [smem:$0x3FAE]  }
0x2c: {  	s7 =	sld [smem:$0x3FAF]  }
0x2d: {  	s3 =	simm.s32 $0x108;
	s8 =	sld [smem:$0x3FB0]  }
0x2e: {  	s3 =	simm.s32 @!p0 $0x1082;
	s9 =	sld [smem:$0x3FB1]  }
0x2f: {  	lr =	sadd.s32 s0, s3;
	s0 =	sld [smem:$0x3FA8]  }
0x30: {  	s3 =	sld [smem:$0x3FAB]  }
0x31: {  	[smem:$0x3FB4] =	sst s10  }
0x32: {  	s10 =	sld [smem:$0x3FB2];
	_ =	sdelay $0x3  }
0x33: {  	p0 =	seq.s32 s10, $0x1;
	s10 =	sld [smem:$0x3FB4];
	_ =	sdelay $0x3  }
0x34: {  	[smem:$0x3FB4] =	sst s10  }
0x35: {  	s10 =	sld [smem:$0x3FB3];
	_ =	sdelay $0x3  }
0x36: {  	p1 =	seq.s32 s10, $0x1;
	s10 =	sld [smem:$0x3FB4];
	_ =	sdelay $0x3  }
0x37: {  	[smem:$0x3FB4] =	sst s10  }
0x38: {  	s10 =	sld [smem:$0x3FB5]  }
0x39: {  	_ = 	snop;
	(pc) =	sbr.ind lr, $3  }
0x3a: {  	_ = 	snop  }
0x3b: {  	_ = 	snop  }
0x3c: {  	p2 =	seq.s32 s10, $0x1;
	s10 =	sld [smem:$0x3FB4]  }
0x3d: {  	_ =	shalt  }
0x3e: {  	_ =	shalt  }
0x3f: {  	_ =	shalt  }
0x40: {  	_ =	shalt  }
0x41: {  	_ =	shalt  }
0x42: {  	_ =	shalt  }
0x43: {  	_ =	shalt  }
0x44: {  	_ =	shalt  }
0x45: {  	_ =	shalt  }
0x46: {  	_ =	shalt  }
0x47: {  	_ =	shalt  }
0x48: {  	_ =	shalt  }
0x49: {  	_ =	shalt  }
0x4a: {  	_ =	shalt  }
0x4b: {  	_ =	shalt  }
0x4c: {  	_ =	shalt  }
0x4d: {  	_ =	shalt  }
0x4e: {  	_ =	shalt  }
0x4f: {  	_ =	shalt  }
0x50: {  	_ =	shalt  }
0x51: {  	_ =	shalt  }
0x52: {  	_ =	shalt  }
0x53: {  	_ =	shalt  }
0x54: {  	_ =	shalt  }
0x55: {  	_ =	shalt  }
0x56: {  	_ =	shalt  }
0x57: {  	_ =	shalt  }
0x58: {  	_ =	shalt  }
0x59: {  	_ =	shalt  }
0x5a: {  	_ =	shalt  }
0x5b: {  	_ =	shalt  }
0x5c: {  	_ =	shalt  }
0x5d: {  	_ =	shalt  }
0x5e: {  	_ =	shalt  }
0x5f: {  	_ =	shalt  }
0x60: {  	_ =	shalt  }
0x61: {  	_ =	shalt  }
0x62: {  	_ =	shalt  }
0x63: {  	_ =	shalt  }
0x64: {  	_ =	shalt  }
0x65: {  	_ =	shalt  }
0x66: {  	_ =	shalt  }
0x67: {  	_ =	shalt  }
0x68: {  	_ =	shalt  }
0x69: {  	_ =	shalt  }
0x6a: {  	_ =	shalt  }
0x6b: {  	_ =	shalt  }
0x6c: {  	_ =	shalt  }
0x6d: {  	_ =	shalt  }
0x6e: {  	_ =	shalt  }
0x6f: {  	_ =	shalt  }
0x70: {  	_ =	shalt  }
0x71: {  	_ =	shalt  }
0x72: {  	_ =	shalt  }
0x73: {  	_ =	shalt  }
0x74: {  	_ =	shalt  }
0x75: {  	_ =	shalt  }
0x76: {  	_ =	shalt  }
0x77: {  	_ =	shalt  }
0x78: {  	_ =	shalt  }
0x79: {  	_ =	shalt  }
0x7a: {  	_ =	shalt  }
0x7b: {  	_ =	shalt  }
0x7c: {  	_ =	shalt  }
0x7d: {  	_ =	shalt  }
0x7e: {  	_ =	shalt  }
0x7f: {  	_ =	shalt  }
0x80: {  	_ =	shalt  }
0x81: {  	_ =	shalt  }
0x82: {  	_ =	shalt  }
0x83: {  	_ =	shalt  }
0x84: {  	_ =	shalt  }
0x85: {  	_ =	shalt  }
0x86: {  	_ =	shalt  }
0x87: {  	_ =	shalt  }
.Lfunc_end0:
.L_simem_size_0:
called_computation_lowered:
.L_overlay_start_0:
0x88: {  	s2 =	sld [smem:$0x3FD9]  }
0x89: {  	s3 =	sld [smem:$0x3FFE];
	_ =	sdelay $0x1  }
0x8a: {  	s1 =	srdreg.scid  }
0x8b: {  	s0 =	sand.u32 $0x1, s1  }
0x8c: {  	s16 =	sshll.u32 s0, $0xA;
	s2 =	sadd.s32 s3, s2  }
0x8d: {  	s2 =	sadd.s32 s2, s16  }
0x8e: {  	[smem:$0x3FC0] =	sst s2  }
0x8f: {  	_ = 	snop  }
0x90: {  	(tm) =	ssettm $0x1  }
0x91: {  	s17 =	sld [smem:$0x3FFB];
	_ =	sdelay $0x3  }
0x92: {  	_ =	strace s17  }
0x93: {  	s2 =	sld [smem:$0x3FFC];
	_ =	sdelay $0x3  }
0x94: {  	_ =	strace s2  }
0x95: {  	s2 =	sld [smem:$0x3FFD];
	_ =	sdelay $0x3  }
0x96: {  	_ =	strace s2  }
0x97: {  	_ =	strace $0x8FFFFFFF  }
0x98: {  	s18 =	sld [smem:$0x3FDB];
	_ =	sdelay $0x1  }
0x99: {  	s19 =	simm.s32 $_scs_section_size  }
0x9a: {  	s4 =	simm.s32 $_size__tile_overlayer_lowered;
	s5 =	simm.s32 $_tile_overlayer_lowered  }
0x9b: {  	s22 =	simm.s32 $0x1BFF;
	s21 =	sshll.u32 s5, $0x1;
	s2 =	sadd.s32 s19, s18  }
0x9c: {  	s6 =	simm.s32 $0x0;
	s20 =	sshll.u32 s4, $0x1;
	s4 =	sadd.s32 s21, s2  }
0x9d: {  	[timem:s6], [sflag:s22] =	dma.local [hbm:s4], s20  }
0x9e: {  	_ =	swait.ge [sflag:s22], s20  }
0x9f: {  	s3 =	ssub.s32 $0x0, s20;
	[sflag:s22] =	ssyncset.done $0x0  }
0xa0: {  	[sflag:s22] =	ssyncadd.s32 s3;
	_ =	sdelay $0x1  }
0xa1: {  	s23 =	simm.s32 $0x1B8B  }
0xa2: {  	_ =	swait.ge [sflag:s23], $0x1  }
0xa3: {  	[sflag:s23] =	ssyncset.done $0x0  }
0xa4: {  	s25 =	simm.s32 $0x1B8E;
	s24 =	sld [smem:$0x3FFE];
	[sflag:s23] =	ssyncadd.s32 $0xFFFFFFFF  }
0xa5: {  	s26 =	simm.s32 $execute0_lowered;
	[smem:$0x3FD2] =	sst s25  }
0xa6: {  	s4 =	sshll.u32 s26, $0x1;
	_ =	strace $0x80000046;
	[dreg:$0x1] =	wrdreg $0xFFFFFFFF  }
0xa7: {  	s28 =	simm.s32 $_size_execute0_lowered;
	s2 =	sadd.s32 s2, s4;
	[dreg:$0x0] =	wrdreg $0x0  }
0xa8: {  	s4 =	sshll.u32 s28, $0x1;
	[dreg:$0x2] =	wrdreg s2  }
0xa9: {  	[dreg:$0x3] =	wrdreg s4  }
0xaa: {  	[dreg:$0x4] =	wrdreg $0xC0  }
0xab: {  	_ =	task [dreg:s6], $0x5FFFF  }
0xac: {  	[dreg:$0x1] =	wrdreg $0xFFFFFFFF  }
0xad: {  	[dreg:$0x0] =	wrdreg $0x60  }
0xae: {  	[dreg:$0x2] =	wrdreg s24  }
0xaf: {  	[dreg:$0x3] =	wrdreg $0x9  }
0xb0: {  	_ =	task.clear_ibuf [dreg:s6], $0x4FFFF;
	_ =	strace $0x90000046  }
0xb1: {  	s29 =	simm.s32 $0x9;
	_ =	strace $0x80000048  }
0xb2: {  	_ =	swait.ge [sflag:s29], $0x1  }
0xb3: {  	[sflag:s29] =	ssyncadd.s32 $0xFFFFFFFF  }
0xb4: {  	_ =	strace $0x90000048  }
0xb5: {  	_ =	sfence  }
0xb6: {  	s30 =	sld [smem:$0x0];
	_ =	sdelay $0x2  }
0xb7: {  	s31 =	sshll.u32 s1, $0xD;
	s1 =	sshrl.u32 s1, $0x2  }
0xb8: {  	s3 =	sand.u32 $0x4000, s31;
	s1 =	sadd.s32 s1, s30  }
0xb9: {  	s0 =	sor.u32 s3, s0;
	s1 =	sshll.u32 s1, $0x11  }
0xba: {  	s0 =	sor.u32 s1, s0  }
0xbb: {  	s0 =	sadd.s32 $0x8F2B, s0  }
0xbc: {  	[sflag:s0] =	ssyncadd.remote.s32 $0x1  }
0xbd: {  	_ =	sfence.sel $0xFFFF  }
0xbe: {  	[dreg:$0x0] =	wrdreg $0xFFFFFFFF;
	(pc) =	sbr.abs _section_cstart, $3  }
0xbf: {  	[dreg:$0x1] =	wrdreg $0xFFFFFFFF  }
0xc0: {  	_ =	task.clear_ibuf [dreg:s6], $0x2FFFF;
	_ =	strace $0x9FFFFFFF  }
0xc1: {  	(tm) =	ssettm $0x7FFFFFFF  }
tec
execute0_lowered:
.L_overlay_start_1:
0x0: {  	(tag) =	ssettag $0x1  }
0x1: {  	s1 =	srdreg.scid;
	s0 =	stileid.u32  }
0x2: {  	s6 =	sand.u32 $0x1, s1;
	s30 =	sshll.u32 s0, $0x1  }
0x3: {  	s8 =	rddreg [dreg:$0x0];
	s7 =	sor.u32 s6, s30  }
0x4: {  	s2 =	simm.s32 $0x0;
	s1 =	rddreg [dreg:$0x1];
	s3 =	smul.u32 $0x50, s7  }
0x5: {  	[smem:$0x7FF] =	sst s2;
	s5 =	sadd.s32 $0x2A00, s8  }
0x6: {  	_ =	strace $0x80000047;
	s10 =	ssub.s32 $0x2, s6;
	s3 =	sadd.s32 s3, s8  }
0x7: {  	s6 =	simm.s32 $0x280;
	s4 =	sadd.s32 $0x2000, s3;
	s3 =	simm.s32 $0x2  }
0x8: {  	[tilespmem:s2], [sflag:$0x2] =	stream.linear.gather [hbm4b:s4+s2], $0x280, $0x38;
	[tilespmem:$0x5280] =	vst v63  }
0x9: {  	s9 =	smul.u32 $0xA00, s7;
	s11 =	sshrl.u32 s10, $0x1;
	_ =	swait.ge [sflag:s3], $0x280  }
0xa: {  	s7 =	simm.s32 $0x1;
	s31 =	ssub.s32 s10, s11;
	[sflag:s3] =	ssyncset.done $0x0  }
0xb: {  	s8 =	sadd.s32 s9, s8;
	s9 =	smax.u32 s31, $0x1;
	[sflag:s3] =	ssyncadd.s32 $0xFFFFFD80  }
0xc: {  	[tilespmem:s6], [sflag:$0x1] =	stream.indirect.gather [hbm4b:s5+s6], $0x20, s2, s6, $0xb8;
	[tilespmem:$0x5280] =	vst v63  }
0xd: {  	p0 =	sne.s32 s9, $0x1;
	_ =	swait.ge [sflag:s7], $0x5000  }
.Ltmp0:
0xe: {  	[sflag:s7] =	ssyncset.done $0x0;
	(pc) =	sbr.rel @!p0 .LBB2_2-.Ltmp0, $4  }
0xf: {  	s8 =	sadd.s32 $0x16A00, s8;
	[sflag:s7] =	ssyncadd.s32 $0xFFFFB000  }
0x10: {  	[hbm4b:s8+s2] =	stream.linear.scatter [tilespmem:s6], [sflag:$0x2], $0x5000, $0x38;
	[tilespmem:$0x5280] =	vst v63  }
0x11: {  	_ =	swait.ge [sflag:s3], $0x5000  }
0x12: {  	s9 =	sadd.s32 $0xFFFFFFFF, s9;
	[sflag:s3] =	ssyncset.done $0x0  }
.LBB2_1:
0x13: {  	p0 =	sne.s32 s9, $0x1;
	s9 =	sadd.s32 $0xFFFFFFFF, s9;
	[sflag:s3] =	ssyncadd.s32 $0xFFFFB000  }
0x14: {  	[tilespmem:s2], [sflag:$0x2] =	stream.linear.gather [hbm4b:s4+s2], $0x280, $0x38;
	[tilespmem:$0x5280] =	vst v63  }
0x15: {  	_ =	swait.ge [sflag:s3], $0x280  }
0x16: {  	[sflag:s3] =	ssyncset.done $0x0  }
0x17: {  	[sflag:s3] =	ssyncadd.s32 $0xFFFFFD80  }
0x18: {  	[tilespmem:s6], [sflag:$0x1] =	stream.indirect.gather [hbm4b:s5+s6], $0x20, s2, s6, $0xb8;
	[tilespmem:$0x5280] =	vst v63  }
0x19: {  	_ =	swait.ge [sflag:s7], $0x5000  }
.Ltmp1:
0x1a: {  	[sflag:s7] =	ssyncset.done $0x0;
	(pc) =	sbr.rel @p0 .LBB2_1-.Ltmp1, $4  }
0x1b: {  	[sflag:s7] =	ssyncadd.s32 $0xFFFFB000  }
0x1c: {  	[hbm4b:s8+s2] =	stream.linear.scatter [tilespmem:s6], [sflag:$0x2], $0x5000, $0x38;
	[tilespmem:$0x5280] =	vst v63  }
0x1d: {  	_ =	swait.ge [sflag:s3], $0x5000  }
0x1e: {  	[sflag:s3] =	ssyncset.done $0x0  }
.LBB2_2:
0x1f: {  	[sflag:s3] =	ssyncadd.s32 $0xFFFFB000  }
0x20: {  	_ =	sfence.sel $0x180000  }
0x21: {  	[bflag:$0x0] =	sbarrier.arrive $0xFFFF  }
0x22: {  	p0 =	sne.s32 s0, $0x0;
	_ =	strace $0x90000047  }
0x23: {  	s0 =	sadd.s32 @!p0 $0x100000, s1;
	[bflag:$0x2] =	sbarrier.arrive $0xFFFF  }
0x24: {  	[sflag:s0] =	ssyncadd.tile.s32 @!p0 $0x1;
	_ =	shalt  }
.Lfunc_end2:
_tile_overlayer_lowered:
.L_overlay_start_2:
0x25: {  	(tag) =	ssettag $0x2  }
0x26: {  	s0 =	rddreg [dreg:$0x0];
	s2 =	stileid.u32  }
0x27: {  	s1 =	rddreg [dreg:$0x1];
	p0 =	sne.s32 s2, $0x0  }
0x28: {  	s3 =	rddreg [dreg:$0x2];
	[bflag:$0x3] =	sbarrier.arrive $0xFFFF;
	s2 =	simm.s32 @!p0 $0x1C02  }
0x29: {  	[timem:s3], [sflag:s2] =	dma.local @!p0 [hbm:s0], s1  }
0x2a: {  	s0 =	simm.s32 @!p0 $0x2  }
0x2b: {  	_ =	swait.ge @!p0 [sflag:s0], s1  }
0x2c: {  	s1 =	ssub.s32 @!p0 $0x0, s1;
	[sflag:s0] =	ssyncset.done @!p0 $0x0  }
0x2d: {  	[sflag:s0] =	ssyncadd.s32 @!p0 s1  }
0x2e: {  	[bflag:$0x3] =	sbarrier.arrive $0xFFFF  }
0x2f: {  	_ =	shalt  }

</sc_bundles>
